<compile_context>
chip_gen: v7x
topology: tpu7x:2x2x1
jax: 0.10.2.dev20260603
libtpu: 0.0.44.dev20260713+nightly
codegen_flags: <defaults>
</compile_context>

<pallas_src>
import functools

import jax
import jax.numpy as jnp
from jax import lax
from jax.experimental import pallas as pl
from jax.experimental.pallas import tpu as pltpu
from jax.experimental.pallas import tpu_sc as plsc



_CHUNK = 128


def _sc_gather_body(
    nchunks, table_hbm, idx_hbm, out_hbm, idx_v, rows0, rows1, sem0, sem1
):
    nc = 2
    wid = lax.axis_index("s") * nc + lax.axis_index("c")
    b_per_w = nchunks * _CHUNK
    base = wid * b_per_w
    pltpu.sync_copy(idx_hbm.at[pl.ds(base, b_per_w)], idx_v)

    def gstart(j, rows, sem):
        off = pl.multiple_of(j * _CHUNK, _CHUNK)
        pltpu.async_copy(
            table_hbm.at[idx_v.at[pl.ds(off, _CHUNK)]], rows, sem
        )

    def gwait(rows, sem):
        pltpu.make_async_copy(
            table_hbm.at[idx_v.at[pl.ds(0, _CHUNK)]], rows, sem
        ).wait()

    def wb(j, rows):
        off = pl.multiple_of(j * _CHUNK, _CHUNK)
        pltpu.sync_copy(rows, out_hbm.at[pl.ds(base + off, _CHUNK)])

    gstart(0, rows0, sem0)

    def pair(i, carry):
        j0 = 2 * i
        gstart(j0 + 1, rows1, sem1)
        gwait(rows0, sem0)
        wb(j0, rows0)
        gstart(j0 + 2, rows0, sem0)
        gwait(rows1, sem1)
        wb(j0 + 1, rows1)
        return carry

    lax.fori_loop(0, nchunks // 2 - 1, pair, 0)
    j0 = nchunks - 2
    gstart(j0 + 1, rows1, sem1)
    gwait(rows0, sem0)
    wb(j0, rows0)
    gwait(rows1, sem1)
    wb(j0 + 1, rows1)


def _sc_gather(tpack, gids):
    ng, dw = tpack.shape
    (b,) = gids.shape
    nw = 32
    assert b % (nw * _CHUNK) == 0 and (b // (nw * _CHUNK)) % 2 == 0
    nchunks = b // (nw * _CHUNK)
    mesh = plsc.VectorSubcoreMesh(core_axis_name="c", subcore_axis_name="s")
    kern = functools.partial(
        pl.kernel,
        mesh=mesh,
        out_type=jax.ShapeDtypeStruct((b, dw), tpack.dtype),
        scratch_types=[
            pltpu.VMEM((nchunks * _CHUNK,), jnp.int32),
            pltpu.VMEM((_CHUNK, dw), tpack.dtype),
            pltpu.VMEM((_CHUNK, dw), tpack.dtype),
            pltpu.SemaphoreType.DMA,
            pltpu.SemaphoreType.DMA,
        ],
    )(functools.partial(_sc_gather_body, nchunks))
    return kern(tpack, gids)



def _proj_body(ids_ref, y_ref, p_ref, o_ref):
    e = p_ref.shape[0]
    bm = y_ref.shape[0]
    ids = ids_ref[0, 0, :]
    par = ((ids >> 7) & 1).astype(jnp.float32).reshape(bm, 1)
    y = y_ref[...]
    a = y[:, :e]
    b = y[:, e:]
    x = a + (b - a) * par
    o_ref[...] = jnp.dot(x, p_ref[...], preferred_element_type=jnp.float32)


def _tc_project(y, ids, p):
    r = y.shape[0]
    e, h = p.shape
    bm = 2048
    assert r % bm == 0
    ids3 = ids.reshape(r // bm, 1, bm)
    return pl.pallas_call(
        _proj_body,
        grid=(r // bm,),
        in_specs=[
            pl.BlockSpec((1, 1, bm), lambda i: (i, 0, 0)),
            pl.BlockSpec((bm, 2 * e), lambda i: (i, 0)),
            pl.BlockSpec((e, h), lambda i: (0, 0)),
        ],
        out_specs=pl.BlockSpec((bm, h), lambda i: (i, 0)),
        out_shape=jax.ShapeDtypeStruct((r, h), jnp.float32),
    )(ids3, y, p)


_BW = 8192


def _pack_body(tt_ref, o_ref):
    e = tt_ref.shape[0]
    bw = tt_ref.shape[1]
    x = tt_ref[...]
    chunks = []
    for t in range(bw // (4 * e)):
        a = x[:, 4 * e * t : 4 * e * t + 2 * e]
        b = x[:, 4 * e * t + 2 * e : 4 * e * t + 4 * e]
        chunks.append(jnp.concatenate([a.T, b.T], axis=1))
    o_ref[...] = jnp.concatenate(chunks, axis=0)


def _pack_table(table):
    v, e = table.shape
    tt = table.T
    grid = (v + _BW - 1) // _BW
    return pl.pallas_call(
        _pack_body,
        grid=(grid,),
        in_specs=[pl.BlockSpec((e, _BW), lambda i: (0, i))],
        out_specs=pl.BlockSpec((_BW // 2, 2 * e), lambda i: (i, 0)),
        out_shape=jax.ShapeDtypeStruct((grid * (_BW // 2), 2 * e), jnp.float32),
    )(tt)


def kernel(inputs, weight_embedding_table, project_variable):
    batch, seq = inputs.shape
    h = project_variable.shape[1]
    ids_t = inputs.T.reshape(-1).astype(jnp.int32)
    tpack = _pack_table(weight_embedding_table)
    gids = (
        (ids_t >> 13) * (_BW // 2)
        + ((ids_t >> 8) & (_BW // 256 - 1)) * 128
        + (ids_t & 127)
    )
    y = _sc_gather(tpack, gids)
    outt = _tc_project(y, ids_t, project_variable)
    return outt.reshape(seq, batch, h).transpose(1, 0, 2)

# --- scband reference (transcript-rebuilt; emitter-appended) ---
"""Pipeline reference for scband-embedding-lookup-factorized-21852793602439 (READ-ONLY COPY).

The authoritative reference and input builder live on the scoring server;
editing this copy changes nothing except your own understanding.
"""

import jax, jax.numpy as jnp
import numpy as np

VOCAB_SIZE = 1000000
EMBEDDING_SIZE = 64
HIDDEN_SIZE = 128
BATCH = 4096
SEQ_LEN = 50


def setup_inputs(seed: int = 0) -> dict:
    key = jax.random.key(seed)
    k1, k2, k3 = jax.random.split(key, 3)
    inputs = jax.random.randint(k1, (BATCH, SEQ_LEN), 0, VOCAB_SIZE, dtype=jnp.int64 if jax.config.jax_enable_x64 else jnp.int32)
    # truncated normal init, as in the original layer
    weight_embedding_table = jax.random.truncated_normal(k2, -2.0, 2.0, (VOCAB_SIZE, EMBEDDING_SIZE), dtype=jnp.float32)
    project_variable = jax.random.truncated_normal(k3, -2.0, 2.0, (EMBEDDING_SIZE, HIDDEN_SIZE), dtype=jnp.float32)
    return {
        "inputs": inputs,
        "weight_embedding_table": weight_embedding_table,
        "project_variable": project_variable,
    }


def reference(inputs, weight_embedding_table, project_variable):
    # Faithful translation of EmbeddingLookupFactorized.call
    input_ids = inputs.astype(jnp.int32)
    batch_size = input_ids.shape[0]
    seq_len = input_ids.shape[1]
    input_ids = jnp.expand_dims(input_ids, axis=2)
    flat_input_ids = jnp.reshape(input_ids, (-1,))
    # embedding gather (SparseCore-friendly)
    output_middle = jnp.take(weight_embedding_table, flat_input_ids, axis=0)
    # factorized projection to hidden size
    output = jnp.matmul(output_middle, project_variable)
    output = jnp.reshape(output, (batch_size, seq_len, project_variable.shape[1]))
    return output

if __name__ == "__main__":
    import jax
    _d = setup_inputs()
    print(jax.jit(kernel)(*tuple(_d.values())))

</pallas_src>

<mosaic_0001>
#map = affine_map<(d0, d1) -> (0, 0)>
#map1 = affine_map<(d0, d1) -> (0)>
module attributes {stable_mosaic.version = 14 : i64} {
  func.func @_sc_gather_body(%arg0: i32, %arg1: i32, %arg2: memref<503808x128xf32, #tpu.memory_space<hbm>>, %arg3: memref<204800xi32, #tpu.memory_space<hbm>>, %arg4: memref<204800x128xf32, #tpu.memory_space<hbm>>, %arg5: memref<6400xi32, #tpu.memory_space<vmem>>, %arg6: memref<128x128xf32, #tpu.memory_space<vmem>>, %arg7: memref<128x128xf32, #tpu.memory_space<vmem>>, %arg8: memref<!tpu.dma_semaphore, #tpu.memory_space<semaphore_mem>>, %arg9: memref<!tpu.dma_semaphore, #tpu.memory_space<semaphore_mem>>) attributes {dimension_semantics = [#tpu.dimension_semantics<core_parallel>, #tpu.dimension_semantics<subcore_parallel>], iteration_bounds = array<i64: 2, 16>, scalar_prefetch = 0 : i64, scratch_operands = 5 : i64, tpu.core_type = #tpu.core_type<sc_vector_subcore>, window_params = [{transform_indices = #map}, {transform_indices = #map1}, {transform_indices = #map}]} {
    %mul3A = arith.constant 2 : i32
    %mul3A_0 = arith.muli %arg1, %mul3A : i32
    %add3A = arith.addi %mul3A_0, %arg0 : i32
    %mul3A_1 = arith.constant 6400 : i32
    %mul3A_2 = arith.muli %add3A, %mul3A_1 : i32
    "tpu.region"() ({
      %run_scoped3A = tpu.sem_alloc : memref<!tpu.dma_semaphore, #tpu.memory_space<semaphore_mem>>
      %dma_start3A_33 = tpu.memref_slice %arg3[%mul3A_2] : memref<204800xi32, #tpu.memory_space<hbm>> -> memref<6400xi32, #tpu.memory_space<hbm>>
      %dma_start3A_34 = tpu.memref_slice %arg3[%mul3A_2] : memref<204800xi32, #tpu.memory_space<hbm>> -> memref<6400xi32, #tpu.memory_space<hbm>>
      tpu.enqueue_dma source(%dma_start3A_34 : memref<6400xi32, #tpu.memory_space<hbm>>) target(%arg5 : memref<6400xi32, #tpu.memory_space<vmem>>) target_semaphore(%run_scoped3A : memref<!tpu.dma_semaphore, #tpu.memory_space<semaphore_mem>>)
      %dma_wait3A_35 = tpu.memref_slice %arg3[%mul3A_2] : memref<204800xi32, #tpu.memory_space<hbm>> -> memref<6400xi32, #tpu.memory_space<hbm>>
      %dma_wait3A_36 = tpu.memref_slice %arg3[%mul3A_2] : memref<204800xi32, #tpu.memory_space<hbm>> -> memref<6400xi32, #tpu.memory_space<hbm>>
      tpu.wait_dma2 semaphore(%run_scoped3A : memref<!tpu.dma_semaphore, #tpu.memory_space<semaphore_mem>>) src(%dma_wait3A_36 : memref<6400xi32, #tpu.memory_space<hbm>>) dst(%arg5 : memref<6400xi32, #tpu.memory_space<vmem>>)
      tpu.yield
    }) : () -> ()
    %multiple_of3A = arith.constant 0 : i32
    %multiple_of3A_3 = tpu.assume_multiple %multiple_of3A, 128 : i32
    %dma_start3A = tpu.memref_slice %arg5[%multiple_of3A_3] : memref<6400xi32, #tpu.memory_space<vmem>> -> memref<128xi32, #tpu.memory_space<vmem>>
    %dma_start3A_4 = arith.constant 0 : i32
    %dma_start3A_5 = arith.constant 0 : i32
    %dma_start3A_6 = tpu.memref_slice %arg2[%dma_start3A_4, %dma_start3A_5] : memref<503808x128xf32, #tpu.memory_space<hbm>> -> memref<503808x128xf32, #tpu.memory_space<hbm>>
    tpu.enqueue_indirect_dma source(%dma_start3A_6 : memref<503808x128xf32, #tpu.memory_space<hbm>>) target(%arg6 : memref<128x128xf32, #tpu.memory_space<vmem>>) offsets(%dma_start3A : memref<128xi32, #tpu.memory_space<vmem>>) semaphore(%arg8 : memref<!tpu.dma_semaphore, #tpu.memory_space<semaphore_mem>>)
    %scan3A = arith.constant 0 : i32
    %scan3A_7 = arith.constant 0 : i32
    %scan3A_8 = arith.constant 24 : i32
    %scan3A_9 = arith.addi %scan3A_7, %scan3A_8 : i32
    %scan3A_10 = arith.constant 1 : i32
    scf.for %scan3A_33 = %scan3A_7 to %scan3A_9 step %scan3A_10  : i32 {
      %mul3A_34 = arith.constant 2 : i32
      %mul3A_35 = arith.muli %mul3A_34, %scan3A_33 : i32
      %add3A_36 = arith.constant 1 : i32
      %add3A_37 = arith.addi %mul3A_35, %add3A_36 : i32
      %mul3A_38 = arith.constant 128 : i32
      %mul3A_39 = arith.muli %add3A_37, %mul3A_38 : i32
      %multiple_of3A_40 = tpu.assume_multiple %mul3A_39, 128 : i32
      %dma_start3A_41 = tpu.memref_slice %arg5[%multiple_of3A_40] : memref<6400xi32, #tpu.memory_space<vmem>> -> memref<128xi32, #tpu.memory_space<vmem>>
      %dma_start3A_42 = arith.constant 0 : i32
      %dma_start3A_43 = arith.constant 0 : i32
      %dma_start3A_44 = tpu.memref_slice %arg2[%dma_start3A_42, %dma_start3A_43] : memref<503808x128xf32, #tpu.memory_space<hbm>> -> memref<503808x128xf32, #tpu.memory_space<hbm>>
      tpu.enqueue_indirect_dma source(%dma_start3A_44 : memref<503808x128xf32, #tpu.memory_space<hbm>>) target(%arg7 : memref<128x128xf32, #tpu.memory_space<vmem>>) offsets(%dma_start3A_41 : memref<128xi32, #tpu.memory_space<vmem>>) semaphore(%arg9 : memref<!tpu.dma_semaphore, #tpu.memory_space<semaphore_mem>>)
      %dma_wait3A_45 = arith.constant 0 : i32
      %dma_wait3A_46 = tpu.memref_slice %arg5[%dma_wait3A_45] : memref<6400xi32, #tpu.memory_space<vmem>> -> memref<128xi32, #tpu.memory_space<vmem>>
      %dma_wait3A_47 = arith.constant 0 : i32
      %dma_wait3A_48 = arith.constant 0 : i32
      %dma_wait3A_49 = tpu.memref_slice %arg2[%dma_wait3A_47, %dma_wait3A_48] : memref<503808x128xf32, #tpu.memory_space<hbm>> -> memref<503808x128xf32, #tpu.memory_space<hbm>>
      tpu.wait_indirect_dma semaphore(%arg8 : memref<!tpu.dma_semaphore, #tpu.memory_space<semaphore_mem>>) src(%dma_wait3A_49 : memref<503808x128xf32, #tpu.memory_space<hbm>>) dst(%arg6 : memref<128x128xf32, #tpu.memory_space<vmem>>)
      %mul3A_50 = arith.constant 128 : i32
      %mul3A_51 = arith.muli %mul3A_35, %mul3A_50 : i32
      %multiple_of3A_52 = tpu.assume_multiple %mul3A_51, 128 : i32
      %add3A_53 = arith.addi %mul3A_2, %multiple_of3A_52 : i32
      "tpu.region"() ({
        %run_scoped3A = tpu.sem_alloc : memref<!tpu.dma_semaphore, #tpu.memory_space<semaphore_mem>>
        %dma_start3A_74 = arith.constant 0 : i32
        %dma_start3A_75 = tpu.memref_slice %arg4[%add3A_53, %dma_start3A_74] : memref<204800x128xf32, #tpu.memory_space<hbm>> -> memref<128x128xf32, #tpu.memory_space<hbm>>
        %dma_start3A_76 = arith.constant 0 : i32
        %dma_start3A_77 = tpu.memref_slice %arg4[%add3A_53, %dma_start3A_76] : memref<204800x128xf32, #tpu.memory_space<hbm>> -> memref<128x128xf32, #tpu.memory_space<hbm>>
        tpu.enqueue_dma source(%arg6 : memref<128x128xf32, #tpu.memory_space<vmem>>) target(%dma_start3A_77 : memref<128x128xf32, #tpu.memory_space<hbm>>) target_semaphore(%run_scoped3A : memref<!tpu.dma_semaphore, #tpu.memory_space<semaphore_mem>>)
        %dma_wait3A_78 = arith.constant 0 : i32
        %dma_wait3A_79 = tpu.memref_slice %arg4[%add3A_53, %dma_wait3A_78] : memref<204800x128xf32, #tpu.memory_space<hbm>> -> memref<128x128xf32, #tpu.memory_space<hbm>>
        %dma_wait3A_80 = arith.constant 0 : i32
        %dma_wait3A_81 = tpu.memref_slice %arg4[%add3A_53, %dma_wait3A_80] : memref<204800x128xf32, #tpu.memory_space<hbm>> -> memref<128x128xf32, #tpu.memory_space<hbm>>
        tpu.wait_dma2 semaphore(%run_scoped3A : memref<!tpu.dma_semaphore, #tpu.memory_space<semaphore_mem>>) src(%arg6 : memref<128x128xf32, #tpu.memory_space<vmem>>) dst(%dma_wait3A_81 : memref<128x128xf32, #tpu.memory_space<hbm>>)
        tpu.yield
      }) : () -> ()
      %add3A_54 = arith.constant 2 : i32
      %add3A_55 = arith.addi %mul3A_35, %add3A_54 : i32
      %mul3A_56 = arith.constant 128 : i32
      %mul3A_57 = arith.muli %add3A_55, %mul3A_56 : i32
      %multiple_of3A_58 = tpu.assume_multiple %mul3A_57, 128 : i32
      %dma_start3A_59 = tpu.memref_slice %arg5[%multiple_of3A_58] : memref<6400xi32, #tpu.memory_space<vmem>> -> memref<128xi32, #tpu.memory_space<vmem>>
      %dma_start3A_60 = arith.constant 0 : i32
      %dma_start3A_61 = arith.constant 0 : i32
      %dma_start3A_62 = tpu.memref_slice %arg2[%dma_start3A_60, %dma_start3A_61] : memref<503808x128xf32, #tpu.memory_space<hbm>> -> memref<503808x128xf32, #tpu.memory_space<hbm>>
      tpu.enqueue_indirect_dma source(%dma_start3A_62 : memref<503808x128xf32, #tpu.memory_space<hbm>>) target(%arg6 : memref<128x128xf32, #tpu.memory_space<vmem>>) offsets(%dma_start3A_59 : memref<128xi32, #tpu.memory_space<vmem>>) semaphore(%arg8 : memref<!tpu.dma_semaphore, #tpu.memory_space<semaphore_mem>>)
      %dma_wait3A_63 = arith.constant 0 : i32
      %dma_wait3A_64 = tpu.memref_slice %arg5[%dma_wait3A_63] : memref<6400xi32, #tpu.memory_space<vmem>> -> memref<128xi32, #tpu.memory_space<vmem>>
      %dma_wait3A_65 = arith.constant 0 : i32
      %dma_wait3A_66 = arith.constant 0 : i32
      %dma_wait3A_67 = tpu.memref_slice %arg2[%dma_wait3A_65, %dma_wait3A_66] : memref<503808x128xf32, #tpu.memory_space<hbm>> -> memref<503808x128xf32, #tpu.memory_space<hbm>>
      tpu.wait_indirect_dma semaphore(%arg9 : memref<!tpu.dma_semaphore, #tpu.memory_space<semaphore_mem>>) src(%dma_wait3A_67 : memref<503808x128xf32, #tpu.memory_space<hbm>>) dst(%arg7 : memref<128x128xf32, #tpu.memory_space<vmem>>)
      %add3A_68 = arith.constant 1 : i32
      %add3A_69 = arith.addi %mul3A_35, %add3A_68 : i32
      %mul3A_70 = arith.constant 128 : i32
      %mul3A_71 = arith.muli %add3A_69, %mul3A_70 : i32
      %multiple_of3A_72 = tpu.assume_multiple %mul3A_71, 128 : i32
      %add3A_73 = arith.addi %mul3A_2, %multiple_of3A_72 : i32
      "tpu.region"() ({
        %run_scoped3A = tpu.sem_alloc : memref<!tpu.dma_semaphore, #tpu.memory_space<semaphore_mem>>
        %dma_start3A_74 = arith.constant 0 : i32
        %dma_start3A_75 = tpu.memref_slice %arg4[%add3A_73, %dma_start3A_74] : memref<204800x128xf32, #tpu.memory_space<hbm>> -> memref<128x128xf32, #tpu.memory_space<hbm>>
        %dma_start3A_76 = arith.constant 0 : i32
        %dma_start3A_77 = tpu.memref_slice %arg4[%add3A_73, %dma_start3A_76] : memref<204800x128xf32, #tpu.memory_space<hbm>> -> memref<128x128xf32, #tpu.memory_space<hbm>>
        tpu.enqueue_dma source(%arg7 : memref<128x128xf32, #tpu.memory_space<vmem>>) target(%dma_start3A_77 : memref<128x128xf32, #tpu.memory_space<hbm>>) target_semaphore(%run_scoped3A : memref<!tpu.dma_semaphore, #tpu.memory_space<semaphore_mem>>)
        %dma_wait3A_78 = arith.constant 0 : i32
        %dma_wait3A_79 = tpu.memref_slice %arg4[%add3A_73, %dma_wait3A_78] : memref<204800x128xf32, #tpu.memory_space<hbm>> -> memref<128x128xf32, #tpu.memory_space<hbm>>
        %dma_wait3A_80 = arith.constant 0 : i32
        %dma_wait3A_81 = tpu.memref_slice %arg4[%add3A_73, %dma_wait3A_80] : memref<204800x128xf32, #tpu.memory_space<hbm>> -> memref<128x128xf32, #tpu.memory_space<hbm>>
        tpu.wait_dma2 semaphore(%run_scoped3A : memref<!tpu.dma_semaphore, #tpu.memory_space<semaphore_mem>>) src(%arg7 : memref<128x128xf32, #tpu.memory_space<vmem>>) dst(%dma_wait3A_81 : memref<128x128xf32, #tpu.memory_space<hbm>>)
        tpu.yield
      }) : () -> ()
    }
    %scan3A_11 = arith.constant 24 : i32
    %multiple_of3A_12 = arith.constant 6272 : i32
    %multiple_of3A_13 = tpu.assume_multiple %multiple_of3A_12, 128 : i32
    %dma_start3A_14 = tpu.memref_slice %arg5[%multiple_of3A_13] : memref<6400xi32, #tpu.memory_space<vmem>> -> memref<128xi32, #tpu.memory_space<vmem>>
    %dma_start3A_15 = arith.constant 0 : i32
    %dma_start3A_16 = arith.constant 0 : i32
    %dma_start3A_17 = tpu.memref_slice %arg2[%dma_start3A_15, %dma_start3A_16] : memref<503808x128xf32, #tpu.memory_space<hbm>> -> memref<503808x128xf32, #tpu.memory_space<hbm>>
    tpu.enqueue_indirect_dma source(%dma_start3A_17 : memref<503808x128xf32, #tpu.memory_space<hbm>>) target(%arg7 : memref<128x128xf32, #tpu.memory_space<vmem>>) offsets(%dma_start3A_14 : memref<128xi32, #tpu.memory_space<vmem>>) semaphore(%arg9 : memref<!tpu.dma_semaphore, #tpu.memory_space<semaphore_mem>>)
    %dma_wait3A = arith.constant 0 : i32
    %dma_wait3A_18 = tpu.memref_slice %arg5[%dma_wait3A] : memref<6400xi32, #tpu.memory_space<vmem>> -> memref<128xi32, #tpu.memory_space<vmem>>
    %dma_wait3A_19 = arith.constant 0 : i32
    %dma_wait3A_20 = arith.constant 0 : i32
    %dma_wait3A_21 = tpu.memref_slice %arg2[%dma_wait3A_19, %dma_wait3A_20] : memref<503808x128xf32, #tpu.memory_space<hbm>> -> memref<503808x128xf32, #tpu.memory_space<hbm>>
    tpu.wait_indirect_dma semaphore(%arg8 : memref<!tpu.dma_semaphore, #tpu.memory_space<semaphore_mem>>) src(%dma_wait3A_21 : memref<503808x128xf32, #tpu.memory_space<hbm>>) dst(%arg6 : memref<128x128xf32, #tpu.memory_space<vmem>>)
    %multiple_of3A_22 = arith.constant 6144 : i32
    %multiple_of3A_23 = tpu.assume_multiple %multiple_of3A_22, 128 : i32
    %add3A_24 = arith.addi %mul3A_2, %multiple_of3A_23 : i32
    "tpu.region"() ({
      %run_scoped3A = tpu.sem_alloc : memref<!tpu.dma_semaphore, #tpu.memory_space<semaphore_mem>>
      %dma_start3A_33 = arith.constant 0 : i32
      %dma_start3A_34 = tpu.memref_slice %arg4[%add3A_24, %dma_start3A_33] : memref<204800x128xf32, #tpu.memory_space<hbm>> -> memref<128x128xf32, #tpu.memory_space<hbm>>
      %dma_start3A_35 = arith.constant 0 : i32
      %dma_start3A_36 = tpu.memref_slice %arg4[%add3A_24, %dma_start3A_35] : memref<204800x128xf32, #tpu.memory_space<hbm>> -> memref<128x128xf32, #tpu.memory_space<hbm>>
      tpu.enqueue_dma source(%arg6 : memref<128x128xf32, #tpu.memory_space<vmem>>) target(%dma_start3A_36 : memref<128x128xf32, #tpu.memory_space<hbm>>) target_semaphore(%run_scoped3A : memref<!tpu.dma_semaphore, #tpu.memory_space<semaphore_mem>>)
      %dma_wait3A_37 = arith.constant 0 : i32
      %dma_wait3A_38 = tpu.memref_slice %arg4[%add3A_24, %dma_wait3A_37] : memref<204800x128xf32, #tpu.memory_space<hbm>> -> memref<128x128xf32, #tpu.memory_space<hbm>>
      %dma_wait3A_39 = arith.constant 0 : i32
      %dma_wait3A_40 = tpu.memref_slice %arg4[%add3A_24, %dma_wait3A_39] : memref<204800x128xf32, #tpu.memory_space<hbm>> -> memref<128x128xf32, #tpu.memory_space<hbm>>
      tpu.wait_dma2 semaphore(%run_scoped3A : memref<!tpu.dma_semaphore, #tpu.memory_space<semaphore_mem>>) src(%arg6 : memref<128x128xf32, #tpu.memory_space<vmem>>) dst(%dma_wait3A_40 : memref<128x128xf32, #tpu.memory_space<hbm>>)
      tpu.yield
    }) : () -> ()
    %dma_wait3A_25 = arith.constant 0 : i32
    %dma_wait3A_26 = tpu.memref_slice %arg5[%dma_wait3A_25] : memref<6400xi32, #tpu.memory_space<vmem>> -> memref<128xi32, #tpu.memory_space<vmem>>
    %dma_wait3A_27 = arith.constant 0 : i32
    %dma_wait3A_28 = arith.constant 0 : i32
    %dma_wait3A_29 = tpu.memref_slice %arg2[%dma_wait3A_27, %dma_wait3A_28] : memref<503808x128xf32, #tpu.memory_space<hbm>> -> memref<503808x128xf32, #tpu.memory_space<hbm>>
    tpu.wait_indirect_dma semaphore(%arg9 : memref<!tpu.dma_semaphore, #tpu.memory_space<semaphore_mem>>) src(%dma_wait3A_29 : memref<503808x128xf32, #tpu.memory_space<hbm>>) dst(%arg7 : memref<128x128xf32, #tpu.memory_space<vmem>>)
    %multiple_of3A_30 = arith.constant 6272 : i32
    %multiple_of3A_31 = tpu.assume_multiple %multiple_of3A_30, 128 : i32
    %add3A_32 = arith.addi %mul3A_2, %multiple_of3A_31 : i32
    "tpu.region"() ({
      %run_scoped3A = tpu.sem_alloc : memref<!tpu.dma_semaphore, #tpu.memory_space<semaphore_mem>>
      %dma_start3A_33 = arith.constant 0 : i32
      %dma_start3A_34 = tpu.memref_slice %arg4[%add3A_32, %dma_start3A_33] : memref<204800x128xf32, #tpu.memory_space<hbm>> -> memref<128x128xf32, #tpu.memory_space<hbm>>
      %dma_start3A_35 = arith.constant 0 : i32
      %dma_start3A_36 = tpu.memref_slice %arg4[%add3A_32, %dma_start3A_35] : memref<204800x128xf32, #tpu.memory_space<hbm>> -> memref<128x128xf32, #tpu.memory_space<hbm>>
      tpu.enqueue_dma source(%arg7 : memref<128x128xf32, #tpu.memory_space<vmem>>) target(%dma_start3A_36 : memref<128x128xf32, #tpu.memory_space<hbm>>) target_semaphore(%run_scoped3A : memref<!tpu.dma_semaphore, #tpu.memory_space<semaphore_mem>>)
      %dma_wait3A_37 = arith.constant 0 : i32
      %dma_wait3A_38 = tpu.memref_slice %arg4[%add3A_32, %dma_wait3A_37] : memref<204800x128xf32, #tpu.memory_space<hbm>> -> memref<128x128xf32, #tpu.memory_space<hbm>>
      %dma_wait3A_39 = arith.constant 0 : i32
      %dma_wait3A_40 = tpu.memref_slice %arg4[%add3A_32, %dma_wait3A_39] : memref<204800x128xf32, #tpu.memory_space<hbm>> -> memref<128x128xf32, #tpu.memory_space<hbm>>
      tpu.wait_dma2 semaphore(%run_scoped3A : memref<!tpu.dma_semaphore, #tpu.memory_space<semaphore_mem>>) src(%arg7 : memref<128x128xf32, #tpu.memory_space<vmem>>) dst(%dma_wait3A_40 : memref<128x128xf32, #tpu.memory_space<hbm>>)
      tpu.yield
    }) : () -> ()
    return
  }
}

module attributes {stable_mosaic.version = 14 : i64} {
  func.func @_pack_body(%arg0: i32, %arg1: memref<64x8192xf32, #tpu.memory_space<vmem>>, %arg2: memref<4096x128xf32, #tpu.memory_space<vmem>>) attributes {dimension_semantics = [#tpu.dimension_semantics<arbitrary>], iteration_bounds = array<i64: 123>, scalar_prefetch = 0 : i64, scratch_operands = 0 : i64, tpu.core_type = #tpu.core_type<tc>, window_params = [{transform_indices = @transform_0, window_bounds = array<i64: 64, 8192>}, {transform_indices = @transform_1, window_bounds = array<i64: 4096, 128>}]} {
    %get3A = arith.constant 0 : index
    %get3A_0 = arith.constant 0 : index
    %get3A_1 = vector.load %arg1[%get3A, %get3A_0] : memref<64x8192xf32, #tpu.memory_space<vmem>>, vector<64x8192xf32>
    %slice3A = vector.extract_strided_slice %get3A_1 {offsets = [0, 0], sizes = [64, 128], strides = [1, 1]} : vector<64x8192xf32> to vector<64x128xf32>
    %slice3A_2 = vector.extract_strided_slice %get3A_1 {offsets = [0, 128], sizes = [64, 128], strides = [1, 1]} : vector<64x8192xf32> to vector<64x128xf32>
    %transpose3A = tpu.transpose %slice3A, [1, 0] : vector<64x128xf32> -> vector<128x64xf32>
    %transpose3A_3 = tpu.transpose %slice3A_2, [1, 0] : vector<64x128xf32> -> vector<128x64xf32>
    %concatenate3A = tpu.concatenate %transpose3A, %transpose3A_3 in 1 : vector<128x64xf32>, vector<128x64xf32> -> vector<128x128xf32>
    %slice3A_4 = vector.extract_strided_slice %get3A_1 {offsets = [0, 256], sizes = [64, 128], strides = [1, 1]} : vector<64x8192xf32> to vector<64x128xf32>
    %slice3A_5 = vector.extract_strided_slice %get3A_1 {offsets = [0, 384], sizes = [64, 128], strides = [1, 1]} : vector<64x8192xf32> to vector<64x128xf32>
    %transpose3A_6 = tpu.transpose %slice3A_4, [1, 0] : vector<64x128xf32> -> vector<128x64xf32>
    %transpose3A_7 = tpu.transpose %slice3A_5, [1, 0] : vector<64x128xf32> -> vector<128x64xf32>
    %concatenate3A_8 = tpu.concatenate %transpose3A_6, %transpose3A_7 in 1 : vector<128x64xf32>, vector<128x64xf32> -> vector<128x128xf32>
    %slice3A_9 = vector.extract_strided_slice %get3A_1 {offsets = [0, 512], sizes = [64, 128], strides = [1, 1]} : vector<64x8192xf32> to vector<64x128xf32>
    %slice3A_10 = vector.extract_strided_slice %get3A_1 {offsets = [0, 640], sizes = [64, 128], strides = [1, 1]} : vector<64x8192xf32> to vector<64x128xf32>
    %transpose3A_11 = tpu.transpose %slice3A_9, [1, 0] : vector<64x128xf32> -> vector<128x64xf32>
    %transpose3A_12 = tpu.transpose %slice3A_10, [1, 0] : vector<64x128xf32> -> vector<128x64xf32>
    %concatenate3A_13 = tpu.concatenate %transpose3A_11, %transpose3A_12 in 1 : vector<128x64xf32>, vector<128x64xf32> -> vector<128x128xf32>
    %slice3A_14 = vector.extract_strided_slice %get3A_1 {offsets = [0, 768], sizes = [64, 128], strides = [1, 1]} : vector<64x8192xf32> to vector<64x128xf32>
    %slice3A_15 = vector.extract_strided_slice %get3A_1 {offsets = [0, 896], sizes = [64, 128], strides = [1, 1]} : vector<64x8192xf32> to vector<64x128xf32>
    %transpose3A_16 = tpu.transpose %slice3A_14, [1, 0] : vector<64x128xf32> -> vector<128x64xf32>
    %transpose3A_17 = tpu.transpose %slice3A_15, [1, 0] : vector<64x128xf32> -> vector<128x64xf32>
    %concatenate3A_18 = tpu.concatenate %transpose3A_16, %transpose3A_17 in 1 : vector<128x64xf32>, vector<128x64xf32> -> vector<128x128xf32>
    %slice3A_19 = vector.extract_strided_slice %get3A_1 {offsets = [0, 1024], sizes = [64, 128], strides = [1, 1]} : vector<64x8192xf32> to vector<64x128xf32>
    %slice3A_20 = vector.extract_strided_slice %get3A_1 {offsets = [0, 1152], sizes = [64, 128], strides = [1, 1]} : vector<64x8192xf32> to vector<64x128xf32>
    %transpose3A_21 = tpu.transpose %slice3A_19, [1, 0] : vector<64x128xf32> -> vector<128x64xf32>
    %transpose3A_22 = tpu.transpose %slice3A_20, [1, 0] : vector<64x128xf32> -> vector<128x64xf32>
    %concatenate3A_23 = tpu.concatenate %transpose3A_21, %transpose3A_22 in 1 : vector<128x64xf32>, vector<128x64xf32> -> vector<128x128xf32>
    %slice3A_24 = vector.extract_strided_slice %get3A_1 {offsets = [0, 1280], sizes = [64, 128], strides = [1, 1]} : vector<64x8192xf32> to vector<64x128xf32>
    %slice3A_25 = vector.extract_strided_slice %get3A_1 {offsets = [0, 1408], sizes = [64, 128], strides = [1, 1]} : vector<64x8192xf32> to vector<64x128xf32>
    %transpose3A_26 = tpu.transpose %slice3A_24, [1, 0] : vector<64x128xf32> -> vector<128x64xf32>
    %transpose3A_27 = tpu.transpose %slice3A_25, [1, 0] : vector<64x128xf32> -> vector<128x64xf32>
    %concatenate3A_28 = tpu.concatenate %transpose3A_26, %transpose3A_27 in 1 : vector<128x64xf32>, vector<128x64xf32> -> vector<128x128xf32>
    %slice3A_29 = vector.extract_strided_slice %get3A_1 {offsets = [0, 1536], sizes = [64, 128], strides = [1, 1]} : vector<64x8192xf32> to vector<64x128xf32>
    %slice3A_30 = vector.extract_strided_slice %get3A_1 {offsets = [0, 1664], sizes = [64, 128], strides = [1, 1]} : vector<64x8192xf32> to vector<64x128xf32>
    %transpose3A_31 = tpu.transpose %slice3A_29, [1, 0] : vector<64x128xf32> -> vector<128x64xf32>
    %transpose3A_32 = tpu.transpose %slice3A_30, [1, 0] : vector<64x128xf32> -> vector<128x64xf32>
    %concatenate3A_33 = tpu.concatenate %transpose3A_31, %transpose3A_32 in 1 : vector<128x64xf32>, vector<128x64xf32> -> vector<128x128xf32>
    %slice3A_34 = vector.extract_strided_slice %get3A_1 {offsets = [0, 1792], sizes = [64, 128], strides = [1, 1]} : vector<64x8192xf32> to vector<64x128xf32>
    %slice3A_35 = vector.extract_strided_slice %get3A_1 {offsets = [0, 1920], sizes = [64, 128], strides = [1, 1]} : vector<64x8192xf32> to vector<64x128xf32>
    %transpose3A_36 = tpu.transpose %slice3A_34, [1, 0] : vector<64x128xf32> -> vector<128x64xf32>
    %transpose3A_37 = tpu.transpose %slice3A_35, [1, 0] : vector<64x128xf32> -> vector<128x64xf32>
    %concatenate3A_38 = tpu.concatenate %transpose3A_36, %transpose3A_37 in 1 : vector<128x64xf32>, vector<128x64xf32> -> vector<128x128xf32>
    %slice3A_39 = vector.extract_strided_slice %get3A_1 {offsets = [0, 2048], sizes = [64, 128], strides = [1, 1]} : vector<64x8192xf32> to vector<64x128xf32>
    %slice3A_40 = vector.extract_strided_slice %get3A_1 {offsets = [0, 2176], sizes = [64, 128], strides = [1, 1]} : vector<64x8192xf32> to vector<64x128xf32>
    %transpose3A_41 = tpu.transpose %slice3A_39, [1, 0] : vector<64x128xf32> -> vector<128x64xf32>
    %transpose3A_42 = tpu.transpose %slice3A_40, [1, 0] : vector<64x128xf32> -> vector<128x64xf32>
    %concatenate3A_43 = tpu.concatenate %transpose3A_41, %transpose3A_42 in 1 : vector<128x64xf32>, vector<128x64xf32> -> vector<128x128xf32>
    %slice3A_44 = vector.extract_strided_slice %get3A_1 {offsets = [0, 2304], sizes = [64, 128], strides = [1, 1]} : vector<64x8192xf32> to vector<64x128xf32>
    %slice3A_45 = vector.extract_strided_slice %get3A_1 {offsets = [0, 2432], sizes = [64, 128], strides = [1, 1]} : vector<64x8192xf32> to vector<64x128xf32>
    %transpose3A_46 = tpu.transpose %slice3A_44, [1, 0] : vector<64x128xf32> -> vector<128x64xf32>
    %transpose3A_47 = tpu.transpose %slice3A_45, [1, 0] : vector<64x128xf32> -> vector<128x64xf32>
    %concatenate3A_48 = tpu.concatenate %transpose3A_46, %transpose3A_47 in 1 : vector<128x64xf32>, vector<128x64xf32> -> vector<128x128xf32>
    %slice3A_49 = vector.extract_strided_slice %get3A_1 {offsets = [0, 2560], sizes = [64, 128], strides = [1, 1]} : vector<64x8192xf32> to vector<64x128xf32>
    %slice3A_50 = vector.extract_strided_slice %get3A_1 {offsets = [0, 2688], sizes = [64, 128], strides = [1, 1]} : vector<64x8192xf32> to vector<64x128xf32>
    %transpose3A_51 = tpu.transpose %slice3A_49, [1, 0] : vector<64x128xf32> -> vector<128x64xf32>
    %transpose3A_52 = tpu.transpose %slice3A_50, [1, 0] : vector<64x128xf32> -> vector<128x64xf32>
    %concatenate3A_53 = tpu.concatenate %transpose3A_51, %transpose3A_52 in 1 : vector<128x64xf32>, vector<128x64xf32> -> vector<128x128xf32>
    %slice3A_54 = vector.extract_strided_slice %get3A_1 {offsets = [0, 2816], sizes = [64, 128], strides = [1, 1]} : vector<64x8192xf32> to vector<64x128xf32>
    %slice3A_55 = vector.extract_strided_slice %get3A_1 {offsets = [0, 2944], sizes = [64, 128], strides = [1, 1]} : vector<64x8192xf32> to vector<64x128xf32>
    %transpose3A_56 = tpu.transpose %slice3A_54, [1, 0] : vector<64x128xf32> -> vector<128x64xf32>
    %transpose3A_57 = tpu.transpose %slice3A_55, [1, 0] : vector<64x128xf32> -> vector<128x64xf32>
    %concatenate3A_58 = tpu.concatenate %transpose3A_56, %transpose3A_57 in 1 : vector<128x64xf32>, vector<128x64xf32> -> vector<128x128xf32>
    %slice3A_59 = vector.extract_strided_slice %get3A_1 {offsets = [0, 3072], sizes = [64, 128], strides = [1, 1]} : vector<64x8192xf32> to vector<64x128xf32>
    %slice3A_60 = vector.extract_strided_slice %get3A_1 {offsets = [0, 3200], sizes = [64, 128], strides = [1, 1]} : vector<64x8192xf32> to vector<64x128xf32>
    %transpose3A_61 = tpu.transpose %slice3A_59, [1, 0] : vector<64x128xf32> -> vector<128x64xf32>
    %transpose3A_62 = tpu.transpose %slice3A_60, [1, 0] : vector<64x128xf32> -> vector<128x64xf32>
    %concatenate3A_63 = tpu.concatenate %transpose3A_61, %transpose3A_62 in 1 : vector<128x64xf32>, vector<128x64xf32> -> vector<128x128xf32>
    %slice3A_64 = vector.extract_strided_slice %get3A_1 {offsets = [0, 3328], sizes = [64, 128], strides = [1, 1]} : vector<64x8192xf32> to vector<64x128xf32>
    %slice3A_65 = vector.extract_strided_slice %get3A_1 {offsets = [0, 3456], sizes = [64, 128], strides = [1, 1]} : vector<64x8192xf32> to vector<64x128xf32>
    %transpose3A_66 = tpu.transpose %slice3A_64, [1, 0] : vector<64x128xf32> -> vector<128x64xf32>
    %transpose3A_67 = tpu.transpose %slice3A_65, [1, 0] : vector<64x128xf32> -> vector<128x64xf32>
    %concatenate3A_68 = tpu.concatenate %transpose3A_66, %transpose3A_67 in 1 : vector<128x64xf32>, vector<128x64xf32> -> vector<128x128xf32>
    %slice3A_69 = vector.extract_strided_slice %get3A_1 {offsets = [0, 3584], sizes = [64, 128], strides = [1, 1]} : vector<64x8192xf32> to vector<64x128xf32>
    %slice3A_70 = vector.extract_strided_slice %get3A_1 {offsets = [0, 3712], sizes = [64, 128], strides = [1, 1]} : vector<64x8192xf32> to vector<64x128xf32>
    %transpose3A_71 = tpu.transpose %slice3A_69, [1, 0] : vector<64x128xf32> -> vector<128x64xf32>
    %transpose3A_72 = tpu.transpose %slice3A_70, [1, 0] : vector<64x128xf32> -> vector<128x64xf32>
    %concatenate3A_73 = tpu.concatenate %transpose3A_71, %transpose3A_72 in 1 : vector<128x64xf32>, vector<128x64xf32> -> vector<128x128xf32>
    %slice3A_74 = vector.extract_strided_slice %get3A_1 {offsets = [0, 3840], sizes = [64, 128], strides = [1, 1]} : vector<64x8192xf32> to vector<64x128xf32>
    %slice3A_75 = vector.extract_strided_slice %get3A_1 {offsets = [0, 3968], sizes = [64, 128], strides = [1, 1]} : vector<64x8192xf32> to vector<64x128xf32>
    %transpose3A_76 = tpu.transpose %slice3A_74, [1, 0] : vector<64x128xf32> -> vector<128x64xf32>
    %transpose3A_77 = tpu.transpose %slice3A_75, [1, 0] : vector<64x128xf32> -> vector<128x64xf32>
    %concatenate3A_78 = tpu.concatenate %transpose3A_76, %transpose3A_77 in 1 : vector<128x64xf32>, vector<128x64xf32> -> vector<128x128xf32>
    %slice3A_79 = vector.extract_strided_slice %get3A_1 {offsets = [0, 4096], sizes = [64, 128], strides = [1, 1]} : vector<64x8192xf32> to vector<64x128xf32>
    %slice3A_80 = vector.extract_strided_slice %get3A_1 {offsets = [0, 4224], sizes = [64, 128], strides = [1, 1]} : vector<64x8192xf32> to vector<64x128xf32>
    %transpose3A_81 = tpu.transpose %slice3A_79, [1, 0] : vector<64x128xf32> -> vector<128x64xf32>
    %transpose3A_82 = tpu.transpose %slice3A_80, [1, 0] : vector<64x128xf32> -> vector<128x64xf32>
    %concatenate3A_83 = tpu.concatenate %transpose3A_81, %transpose3A_82 in 1 : vector<128x64xf32>, vector<128x64xf32> -> vector<128x128xf32>
    %slice3A_84 = vector.extract_strided_slice %get3A_1 {offsets = [0, 4352], sizes = [64, 128], strides = [1, 1]} : vector<64x8192xf32> to vector<64x128xf32>
    %slice3A_85 = vector.extract_strided_slice %get3A_1 {offsets = [0, 4480], sizes = [64, 128], strides = [1, 1]} : vector<64x8192xf32> to vector<64x128xf32>
    %transpose3A_86 = tpu.transpose %slice3A_84, [1, 0] : vector<64x128xf32> -> vector<128x64xf32>
    %transpose3A_87 = tpu.transpose %slice3A_85, [1, 0] : vector<64x128xf32> -> vector<128x64xf32>
    %concatenate3A_88 = tpu.concatenate %transpose3A_86, %transpose3A_87 in 1 : vector<128x64xf32>, vector<128x64xf32> -> vector<128x128xf32>
    %slice3A_89 = vector.extract_strided_slice %get3A_1 {offsets = [0, 4608], sizes = [64, 128], strides = [1, 1]} : vector<64x8192xf32> to vector<64x128xf32>
    %slice3A_90 = vector.extract_strided_slice %get3A_1 {offsets = [0, 4736], sizes = [64, 128], strides = [1, 1]} : vector<64x8192xf32> to vector<64x128xf32>
    %transpose3A_91 = tpu.transpose %slice3A_89, [1, 0] : vector<64x128xf32> -> vector<128x64xf32>
    %transpose3A_92 = tpu.transpose %slice3A_90, [1, 0] : vector<64x128xf32> -> vector<128x64xf32>
    %concatenate3A_93 = tpu.concatenate %transpose3A_91, %transpose3A_92 in 1 : vector<128x64xf32>, vector<128x64xf32> -> vector<128x128xf32>
    %slice3A_94 = vector.extract_strided_slice %get3A_1 {offsets = [0, 4864], sizes = [64, 128], strides = [1, 1]} : vector<64x8192xf32> to vector<64x128xf32>
    %slice3A_95 = vector.extract_strided_slice %get3A_1 {offsets = [0, 4992], sizes = [64, 128], strides = [1, 1]} : vector<64x8192xf32> to vector<64x128xf32>
    %transpose3A_96 = tpu.transpose %slice3A_94, [1, 0] : vector<64x128xf32> -> vector<128x64xf32>
    %transpose3A_97 = tpu.transpose %slice3A_95, [1, 0] : vector<64x128xf32> -> vector<128x64xf32>
    %concatenate3A_98 = tpu.concatenate %transpose3A_96, %transpose3A_97 in 1 : vector<128x64xf32>, vector<128x64xf32> -> vector<128x128xf32>
    %slice3A_99 = vector.extract_strided_slice %get3A_1 {offsets = [0, 5120], sizes = [64, 128], strides = [1, 1]} : vector<64x8192xf32> to vector<64x128xf32>
    %slice3A_100 = vector.extract_strided_slice %get3A_1 {offsets = [0, 5248], sizes = [64, 128], strides = [1, 1]} : vector<64x8192xf32> to vector<64x128xf32>
    %transpose3A_101 = tpu.transpose %slice3A_99, [1, 0] : vector<64x128xf32> -> vector<128x64xf32>
    %transpose3A_102 = tpu.transpose %slice3A_100, [1, 0] : vector<64x128xf32> -> vector<128x64xf32>
    %concatenate3A_103 = tpu.concatenate %transpose3A_101, %transpose3A_102 in 1 : vector<128x64xf32>, vector<128x64xf32> -> vector<128x128xf32>
    %slice3A_104 = vector.extract_strided_slice %get3A_1 {offsets = [0, 5376], sizes = [64, 128], strides = [1, 1]} : vector<64x8192xf32> to vector<64x128xf32>
    %slice3A_105 = vector.extract_strided_slice %get3A_1 {offsets = [0, 5504], sizes = [64, 128], strides = [1, 1]} : vector<64x8192xf32> to vector<64x128xf32>
    %transpose3A_106 = tpu.transpose %slice3A_104, [1, 0] : vector<64x128xf32> -> vector<128x64xf32>
    %transpose3A_107 = tpu.transpose %slice3A_105, [1, 0] : vector<64x128xf32> -> vector<128x64xf32>
    %concatenate3A_108 = tpu.concatenate %transpose3A_106, %transpose3A_107 in 1 : vector<128x64xf32>, vector<128x64xf32> -> vector<128x128xf32>
    %slice3A_109 = vector.extract_strided_slice %get3A_1 {offsets = [0, 5632], sizes = [64, 128], strides = [1, 1]} : vector<64x8192xf32> to vector<64x128xf32>
    %slice3A_110 = vector.extract_strided_slice %get3A_1 {offsets = [0, 5760], sizes = [64, 128], strides = [1, 1]} : vector<64x8192xf32> to vector<64x128xf32>
    %transpose3A_111 = tpu.transpose %slice3A_109, [1, 0] : vector<64x128xf32> -> vector<128x64xf32>
    %transpose3A_112 = tpu.transpose %slice3A_110, [1, 0] : vector<64x128xf32> -> vector<128x64xf32>
    %concatenate3A_113 = tpu.concatenate %transpose3A_111, %transpose3A_112 in 1 : vector<128x64xf32>, vector<128x64xf32> -> vector<128x128xf32>
    %slice3A_114 = vector.extract_strided_slice %get3A_1 {offsets = [0, 5888], sizes = [64, 128], strides = [1, 1]} : vector<64x8192xf32> to vector<64x128xf32>
    %slice3A_115 = vector.extract_strided_slice %get3A_1 {offsets = [0, 6016], sizes = [64, 128], strides = [1, 1]} : vector<64x8192xf32> to vector<64x128xf32>
    %transpose3A_116 = tpu.transpose %slice3A_114, [1, 0] : vector<64x128xf32> -> vector<128x64xf32>
    %transpose3A_117 = tpu.transpose %slice3A_115, [1, 0] : vector<64x128xf32> -> vector<128x64xf32>
    %concatenate3A_118 = tpu.concatenate %transpose3A_116, %transpose3A_117 in 1 : vector<128x64xf32>, vector<128x64xf32> -> vector<128x128xf32>
    %slice3A_119 = vector.extract_strided_slice %get3A_1 {offsets = [0, 6144], sizes = [64, 128], strides = [1, 1]} : vector<64x8192xf32> to vector<64x128xf32>
    %slice3A_120 = vector.extract_strided_slice %get3A_1 {offsets = [0, 6272], sizes = [64, 128], strides = [1, 1]} : vector<64x8192xf32> to vector<64x128xf32>
    %transpose3A_121 = tpu.transpose %slice3A_119, [1, 0] : vector<64x128xf32> -> vector<128x64xf32>
    %transpose3A_122 = tpu.transpose %slice3A_120, [1, 0] : vector<64x128xf32> -> vector<128x64xf32>
    %concatenate3A_123 = tpu.concatenate %transpose3A_121, %transpose3A_122 in 1 : vector<128x64xf32>, vector<128x64xf32> -> vector<128x128xf32>
    %slice3A_124 = vector.extract_strided_slice %get3A_1 {offsets = [0, 6400], sizes = [64, 128], strides = [1, 1]} : vector<64x8192xf32> to vector<64x128xf32>
    %slice3A_125 = vector.extract_strided_slice %get3A_1 {offsets = [0, 6528], sizes = [64, 128], strides = [1, 1]} : vector<64x8192xf32> to vector<64x128xf32>
    %transpose3A_126 = tpu.transpose %slice3A_124, [1, 0] : vector<64x128xf32> -> vector<128x64xf32>
    %transpose3A_127 = tpu.transpose %slice3A_125, [1, 0] : vector<64x128xf32> -> vector<128x64xf32>
    %concatenate3A_128 = tpu.concatenate %transpose3A_126, %transpose3A_127 in 1 : vector<128x64xf32>, vector<128x64xf32> -> vector<128x128xf32>
    %slice3A_129 = vector.extract_strided_slice %get3A_1 {offsets = [0, 6656], sizes = [64, 128], strides = [1, 1]} : vector<64x8192xf32> to vector<64x128xf32>
    %slice3A_130 = vector.extract_strided_slice %get3A_1 {offsets = [0, 6784], sizes = [64, 128], strides = [1, 1]} : vector<64x8192xf32> to vector<64x128xf32>
    %transpose3A_131 = tpu.transpose %slice3A_129, [1, 0] : vector<64x128xf32> -> vector<128x64xf32>
    %transpose3A_132 = tpu.transpose %slice3A_130, [1, 0] : vector<64x128xf32> -> vector<128x64xf32>
    %concatenate3A_133 = tpu.concatenate %transpose3A_131, %transpose3A_132 in 1 : vector<128x64xf32>, vector<128x64xf32> -> vector<128x128xf32>
    %slice3A_134 = vector.extract_strided_slice %get3A_1 {offsets = [0, 6912], sizes = [64, 128], strides = [1, 1]} : vector<64x8192xf32> to vector<64x128xf32>
    %slice3A_135 = vector.extract_strided_slice %get3A_1 {offsets = [0, 7040], sizes = [64, 128], strides = [1, 1]} : vector<64x8192xf32> to vector<64x128xf32>
    %transpose3A_136 = tpu.transpose %slice3A_134, [1, 0] : vector<64x128xf32> -> vector<128x64xf32>
    %transpose3A_137 = tpu.transpose %slice3A_135, [1, 0] : vector<64x128xf32> -> vector<128x64xf32>
    %concatenate3A_138 = tpu.concatenate %transpose3A_136, %transpose3A_137 in 1 : vector<128x64xf32>, vector<128x64xf32> -> vector<128x128xf32>
    %slice3A_139 = vector.extract_strided_slice %get3A_1 {offsets = [0, 7168], sizes = [64, 128], strides = [1, 1]} : vector<64x8192xf32> to vector<64x128xf32>
    %slice3A_140 = vector.extract_strided_slice %get3A_1 {offsets = [0, 7296], sizes = [64, 128], strides = [1, 1]} : vector<64x8192xf32> to vector<64x128xf32>
    %transpose3A_141 = tpu.transpose %slice3A_139, [1, 0] : vector<64x128xf32> -> vector<128x64xf32>
    %transpose3A_142 = tpu.transpose %slice3A_140, [1, 0] : vector<64x128xf32> -> vector<128x64xf32>
    %concatenate3A_143 = tpu.concatenate %transpose3A_141, %transpose3A_142 in 1 : vector<128x64xf32>, vector<128x64xf32> -> vector<128x128xf32>
    %slice3A_144 = vector.extract_strided_slice %get3A_1 {offsets = [0, 7424], sizes = [64, 128], strides = [1, 1]} : vector<64x8192xf32> to vector<64x128xf32>
    %slice3A_145 = vector.extract_strided_slice %get3A_1 {offsets = [0, 7552], sizes = [64, 128], strides = [1, 1]} : vector<64x8192xf32> to vector<64x128xf32>
    %transpose3A_146 = tpu.transpose %slice3A_144, [1, 0] : vector<64x128xf32> -> vector<128x64xf32>
    %transpose3A_147 = tpu.transpose %slice3A_145, [1, 0] : vector<64x128xf32> -> vector<128x64xf32>
    %concatenate3A_148 = tpu.concatenate %transpose3A_146, %transpose3A_147 in 1 : vector<128x64xf32>, vector<128x64xf32> -> vector<128x128xf32>
    %slice3A_149 = vector.extract_strided_slice %get3A_1 {offsets = [0, 7680], sizes = [64, 128], strides = [1, 1]} : vector<64x8192xf32> to vector<64x128xf32>
    %slice3A_150 = vector.extract_strided_slice %get3A_1 {offsets = [0, 7808], sizes = [64, 128], strides = [1, 1]} : vector<64x8192xf32> to vector<64x128xf32>
    %transpose3A_151 = tpu.transpose %slice3A_149, [1, 0] : vector<64x128xf32> -> vector<128x64xf32>
    %transpose3A_152 = tpu.transpose %slice3A_150, [1, 0] : vector<64x128xf32> -> vector<128x64xf32>
    %concatenate3A_153 = tpu.concatenate %transpose3A_151, %transpose3A_152 in 1 : vector<128x64xf32>, vector<128x64xf32> -> vector<128x128xf32>
    %slice3A_154 = vector.extract_strided_slice %get3A_1 {offsets = [0, 7936], sizes = [64, 128], strides = [1, 1]} : vector<64x8192xf32> to vector<64x128xf32>
    %slice3A_155 = vector.extract_strided_slice %get3A_1 {offsets = [0, 8064], sizes = [64, 128], strides = [1, 1]} : vector<64x8192xf32> to vector<64x128xf32>
    %transpose3A_156 = tpu.transpose %slice3A_154, [1, 0] : vector<64x128xf32> -> vector<128x64xf32>
    %transpose3A_157 = tpu.transpose %slice3A_155, [1, 0] : vector<64x128xf32> -> vector<128x64xf32>
    %concatenate3A_158 = tpu.concatenate %transpose3A_156, %transpose3A_157 in 1 : vector<128x64xf32>, vector<128x64xf32> -> vector<128x128xf32>
    %concatenate3A_159 = tpu.concatenate %concatenate3A, %concatenate3A_8, %concatenate3A_13, %concatenate3A_18, %concatenate3A_23, %concatenate3A_28, %concatenate3A_33, %concatenate3A_38, %concatenate3A_43, %concatenate3A_48, %concatenate3A_53, %concatenate3A_58, %concatenate3A_63, %concatenate3A_68, %concatenate3A_73, %concatenate3A_78, %concatenate3A_83, %concatenate3A_88, %concatenate3A_93, %concatenate3A_98, %concatenate3A_103, %concatenate3A_108, %concatenate3A_113, %concatenate3A_118, %concatenate3A_123, %concatenate3A_128, %concatenate3A_133, %concatenate3A_138, %concatenate3A_143, %concatenate3A_148, %concatenate3A_153, %concatenate3A_158 in 0 : vector<128x128xf32>, vector<128x128xf32>, vector<128x128xf32>, vector<128x128xf32>, vector<128x128xf32>, vector<128x128xf32>, vector<128x128xf32>, vector<128x128xf32>, vector<128x128xf32>, vector<128x128xf32>, vector<128x128xf32>, vector<128x128xf32>, vector<128x128xf32>, vector<128x128xf32>, vector<128x128xf32>, vector<128x128xf32>, vector<128x128xf32>, vector<128x128xf32>, vector<128x128xf32>, vector<128x128xf32>, vector<128x128xf32>, vector<128x128xf32>, vector<128x128xf32>, vector<128x128xf32>, vector<128x128xf32>, vector<128x128xf32>, vector<128x128xf32>, vector<128x128xf32>, vector<128x128xf32>, vector<128x128xf32>, vector<128x128xf32>, vector<128x128xf32> -> vector<4096x128xf32>
    %swap3A = arith.constant 0 : index
    %swap3A_160 = arith.constant 0 : index
    %swap3A_161 = vector.load %arg2[%swap3A, %swap3A_160] : memref<4096x128xf32, #tpu.memory_space<vmem>>, vector<4096x128xf32>
    tpu.vector_store %arg2[%swap3A, %swap3A_160], %concatenate3A_159 {strides = array<i32>} : memref<4096x128xf32, #tpu.memory_space<vmem>>, vector<4096x128xf32>,
    return
  }
  func.func @transform_0(%arg0: i32) -> (i32, i32) {
    %c0_i32 = arith.constant 0 : i32
    %c0_i32_0 = arith.constant 0 : i32
    return %c0_i32, %arg0 : i32, i32
  }
  func.func @transform_1(%arg0: i32) -> (i32, i32) {
    %c0_i32 = arith.constant 0 : i32
    %c0_i32_0 = arith.constant 0 : i32
    return %arg0, %c0_i32 : i32, i32
  }
}

module attributes {stable_mosaic.version = 14 : i64} {
  func.func @_proj_body(%arg0: i32, %arg1: memref<1x1x2048xi32, #tpu.memory_space<vmem>>, %arg2: memref<2048x128xf32, #tpu.memory_space<vmem>>, %arg3: memref<64x128xf32, #tpu.memory_space<vmem>>, %arg4: memref<2048x128xf32, #tpu.memory_space<vmem>>) attributes {dimension_semantics = [#tpu.dimension_semantics<arbitrary>], iteration_bounds = array<i64: 100>, scalar_prefetch = 0 : i64, scratch_operands = 0 : i64, tpu.core_type = #tpu.core_type<tc>, window_params = [{transform_indices = @transform_0, window_bounds = array<i64: 1, 1, 2048>}, {transform_indices = @transform_1, window_bounds = array<i64: 2048, 128>}, {pipeline_mode = #tpu.pipeline_mode<synchronous>, transform_indices = @transform_2, window_bounds = array<i64: 64, 128>}, {transform_indices = @transform_3, window_bounds = array<i64: 2048, 128>}]} {
    %get3A = arith.constant 0 : index
    %get3A_0 = arith.constant 0 : index
    %get3A_1 = arith.constant 0 : index
    %get3A_2 = vector.load %arg1[%get3A, %get3A_0, %get3A_1] : memref<1x1x2048xi32, #tpu.memory_space<vmem>>, vector<1x1x2048xi32>
    %get3A_3 = vector.shape_cast %get3A_2 : vector<1x1x2048xi32> to vector<2048xi32>
    %shift_right_arithmetic3A = arith.constant 7 : i32
    %shift_right_arithmetic3A_4 = vector.broadcast %shift_right_arithmetic3A : i32 to vector<2048xi32>
    %shift_right_arithmetic3A_5 = arith.shrsi %get3A_3, %shift_right_arithmetic3A_4 : vector<2048xi32>
    %and3A = arith.constant 1 : i32
    %and3A_6 = vector.broadcast %and3A : i32 to vector<2048xi32>
    %and3A_7 = arith.andi %shift_right_arithmetic3A_5, %and3A_6 : vector<2048xi32>
    %convert_element_type3A = arith.sitofp %and3A_7 : vector<2048xi32> to vector<2048xf32>
    %reshape3A = vector.shape_cast %convert_element_type3A : vector<2048xf32> to vector<2048x1xf32>
    %get3A_8 = arith.constant 0 : index
    %get3A_9 = arith.constant 0 : index
    %get3A_10 = vector.load %arg2[%get3A_8, %get3A_9] : memref<2048x128xf32, #tpu.memory_space<vmem>>, vector<2048x128xf32>
    %slice3A = vector.extract_strided_slice %get3A_10 {offsets = [0, 0], sizes = [2048, 64], strides = [1, 1]} : vector<2048x128xf32> to vector<2048x64xf32>
    %slice3A_11 = vector.extract_strided_slice %get3A_10 {offsets = [0, 64], sizes = [2048, 64], strides = [1, 1]} : vector<2048x128xf32> to vector<2048x64xf32>
    %sub3A = arith.subf %slice3A_11, %slice3A : vector<2048x64xf32>
    %mul3A = vector.broadcast %reshape3A : vector<2048x1xf32> to vector<2048x64xf32>
    %mul3A_12 = arith.mulf %sub3A, %mul3A : vector<2048x64xf32>
    %add3A = arith.addf %slice3A, %mul3A_12 : vector<2048x64xf32>
    %get3A_13 = arith.constant 0 : index
    %get3A_14 = arith.constant 0 : index
    %get3A_15 = vector.load %arg3[%get3A_13, %get3A_14] : memref<64x128xf32, #tpu.memory_space<vmem>>, vector<64x128xf32>
    %dot_general3A = arith.constant dense<0.000000e+00> : vector<2048x128xf32>
    %dot_general3A_16 = tpu.matmul %add3A, %get3A_15, %dot_general3A {dimension_numbers = #tpu.dot_dimension_numbers<[1], [0], [0], [1], [0, 0, 1, 1], [], []>, transpose_lhs_hint = false} : vector<2048x64xf32>, vector<64x128xf32>, vector<2048x128xf32> -> vector<2048x128xf32>
    %swap3A = arith.constant 0 : index
    %swap3A_17 = arith.constant 0 : index
    %swap3A_18 = vector.load %arg4[%swap3A, %swap3A_17] : memref<2048x128xf32, #tpu.memory_space<vmem>>, vector<2048x128xf32>
    tpu.vector_store %arg4[%swap3A, %swap3A_17], %dot_general3A_16 {strides = array<i32>} : memref<2048x128xf32, #tpu.memory_space<vmem>>, vector<2048x128xf32>,
    return
  }
  func.func @transform_0(%arg0: i32) -> (i32, i32, i32) {
    %c0_i32 = arith.constant 0 : i32
    %c0_i32_0 = arith.constant 0 : i32
    %c0_i32_1 = arith.constant 0 : i32
    return %arg0, %c0_i32, %c0_i32_0 : i32, i32, i32
  }
  func.func @transform_1(%arg0: i32) -> (i32, i32) {
    %c0_i32 = arith.constant 0 : i32
    %c0_i32_0 = arith.constant 0 : i32
    return %arg0, %c0_i32 : i32, i32
  }
  func.func @transform_2(%arg0: i32) -> (i32, i32) {
    %c0_i32 = arith.constant 0 : i32
    %c0_i32_0 = arith.constant 0 : i32
    %c0_i32_1 = arith.constant 0 : i32
    return %c0_i32, %c0_i32_0 : i32, i32
  }
  func.func @transform_3(%arg0: i32) -> (i32, i32) {
    %c0_i32 = arith.constant 0 : i32
    %c0_i32_0 = arith.constant 0 : i32
    return %arg0, %c0_i32 : i32, i32
  }
}

</mosaic_0001>

<sc_bundles>
// kernel: kernel.5.cloned.1.call-start
scs
__scs_entry_jumppad:
0x0: {  	(pc) =	sbr.rel $0x88, $3  }
0x1: {  	(tag) =	ssettag $0x0;
	lr =	simm.s32 $0x1  }
0x2: {  	[smem:$0x3F9E] =	sst lr;
	_ =	strace $0xD0000000  }
0x3: {  	_ = 	snop  }
0x4: {  	_ = 	snop  }
0x5: {  	_ = 	snop  }
0x6: {  	_ = 	snop  }
0x7: {  	_ = 	snop  }
__scs_overlays_trampoline_lowered:
0x8: {  	[smem:$0x3FAD] =	sst s0  }
0x9: {  	[smem:$0x3FAE] =	sst s1  }
0xa: {  	[smem:$0x3FAF] =	sst s2  }
0xb: {  	[smem:$0x3FB0] =	sst s3  }
0xc: {  	[smem:$0x3FB1] =	sst s4  }
0xd: {  	[smem:$0x3FB2] =	sst s5  }
0xe: {  	[smem:$0x3FB3] =	sst s6  }
0xf: {  	[smem:$0x3FB4] =	sst s7  }
0x10: {  	[smem:$0x3FB5] =	sst s8  }
0x11: {  	[smem:$0x3FB6] =	sst s9;
	s0 =	simm.s32 @!p0 $0x0  }
0x12: {  	s1 =	sld [smem:$0x3F9C];
	s0 =	simm.s32 @p0 $0x1  }
0x13: {  	[smem:$0x3FB7] =	sst s0;
	s0 =	simm.s32 @!p1 $0x0  }
0x14: {  	s2 =	sld [smem:$0x3F9B];
	s0 =	simm.s32 @p1 $0x1  }
0x15: {  	[smem:$0x3FB8] =	sst s0;
	s0 =	simm.s32 @!p2 $0x0  }
0x16: {  	s3 =	sld [smem:$0x3FDB];
	s0 =	simm.s32 @p2 $0x1  }
0x17: {  	s4 =	simm.s32 $0x1BF5;
	[smem:$0x3FBA] =	sst s0  }
0x18: {  	s0 =	sld [smem:$0x3F9D];
	_ =	swait.ge [sflag:s4], $0x0  }
0x19: {  	s7 =	sld [smem:$0x3F9E]  }
0x1a: {  	s8 =	sadd.s32 $0xFFFFE003, lr  }
0x1b: {  	s9 =	sadd.s32 $0xFFFFFEF7, lr;
	s5 =	simm.s32 $0xFFFFFFFF;
	p2 =	slt.u32 s8, $0xFFFFF086  }
0x1c: {  	p1 =	slt.u32 s9, $0xF7A;
	s5 =	simm.s32 @!p2 $0x0  }
0x1d: {  	s5 =	simm.s32 @p1 $0x1;
	p0 =	seq.s32 s7, s2  }
0x1e: {  	s7 =	smul.u32 @!p0 $0xF7A, s2;
	p2 =	seq.s32 @!p0 s5, $0x0  }
0x1f: {  	s9 =	smul.u32 $0xF7A, s1;
	s8 =	simm.s32 @!p0 $0x1BF5;
	p2 =	por !p2, p0  }
0x20: {  	[sflag:s8] =	ssyncset.s32 @!p0 $0xFFFFF086;
	s6 =	sadd.s32 @!p0 s3, s7;
	s7 =	simm.s32 @!p0 $0x108  }
0x21: {  	s3 =	sadd.s32 s3, s9;
	s6 =	sadd.s32 @!p0 $0x88, s6;
	s7 =	simm.s32 @p2 $0x1082  }
0x22: {  	[simem:s7], [sflag:s8] =	dma.local @!p0 [hbm:s6], $0xF7A  }
0x23: {  	s9 =	sor.u32 $0xD0000000, s2;
	s6 =	simm.s32 $0x108;
	_ =	swait.ge @!p0 [sflag:s8], $0x0  }
0x24: {  	s3 =	sadd.s32 $0x88, s3;
	s6 =	simm.s32 @!p1 $0x1082;
	[sflag:s4] =	ssyncset.s32 $0xFFFFF086  }
0x25: {  	[simem:s6], [sflag:s4] =	dma.local [hbm:s3], $0xF7A  }
0x26: {  	[smem:$0x3F9E] =	sst s1;
	(tag) =	ssettag s2;
	_ =	strace s9  }
0x27: {  	s1 =	sld [smem:$0x3FAE]  }
0x28: {  	s2 =	sld [smem:$0x3FAF]  }
0x29: {  	s4 =	sld [smem:$0x3FB1]  }
0x2a: {  	p0 =	seq.s32 s5, $0x0;
	s5 =	sld [smem:$0x3FB2]  }
0x2b: {  	s6 =	sld [smem:$0x3FB3]  }
0x2c: {  	s7 =	sld [smem:$0x3FB4]  }
0x2d: {  	s3 =	simm.s32 $0x108;
	s8 =	sld [smem:$0x3FB5]  }
0x2e: {  	s3 =	simm.s32 @!p0 $0x1082;
	s9 =	sld [smem:$0x3FB6]  }
0x2f: {  	lr =	sadd.s32 s0, s3;
	s0 =	sld [smem:$0x3FAD]  }
0x30: {  	s3 =	sld [smem:$0x3FB0]  }
0x31: {  	[smem:$0x3FB9] =	sst s10  }
0x32: {  	s10 =	sld [smem:$0x3FB7];
	_ =	sdelay $0x3  }
0x33: {  	p0 =	seq.s32 s10, $0x1;
	s10 =	sld [smem:$0x3FB9];
	_ =	sdelay $0x3  }
0x34: {  	[smem:$0x3FB9] =	sst s10  }
0x35: {  	s10 =	sld [smem:$0x3FB8];
	_ =	sdelay $0x3  }
0x36: {  	p1 =	seq.s32 s10, $0x1;
	s10 =	sld [smem:$0x3FB9];
	_ =	sdelay $0x3  }
0x37: {  	[smem:$0x3FB9] =	sst s10  }
0x38: {  	s10 =	sld [smem:$0x3FBA]  }
0x39: {  	_ = 	snop;
	(pc) =	sbr.ind lr, $3  }
0x3a: {  	_ = 	snop  }
0x3b: {  	_ = 	snop  }
0x3c: {  	p2 =	seq.s32 s10, $0x1;
	s10 =	sld [smem:$0x3FB9]  }
0x3d: {  	_ =	shalt  }
0x3e: {  	_ =	shalt  }
0x3f: {  	_ =	shalt  }
0x40: {  	_ =	shalt  }
0x41: {  	_ =	shalt  }
0x42: {  	_ =	shalt  }
0x43: {  	_ =	shalt  }
0x44: {  	_ =	shalt  }
0x45: {  	_ =	shalt  }
0x46: {  	_ =	shalt  }
0x47: {  	_ =	shalt  }
0x48: {  	_ =	shalt  }
0x49: {  	_ =	shalt  }
0x4a: {  	_ =	shalt  }
0x4b: {  	_ =	shalt  }
0x4c: {  	_ =	shalt  }
0x4d: {  	_ =	shalt  }
0x4e: {  	_ =	shalt  }
0x4f: {  	_ =	shalt  }
0x50: {  	_ =	shalt  }
0x51: {  	_ =	shalt  }
0x52: {  	_ =	shalt  }
0x53: {  	_ =	shalt  }
0x54: {  	_ =	shalt  }
0x55: {  	_ =	shalt  }
0x56: {  	_ =	shalt  }
0x57: {  	_ =	shalt  }
0x58: {  	_ =	shalt  }
0x59: {  	_ =	shalt  }
0x5a: {  	_ =	shalt  }
0x5b: {  	_ =	shalt  }
0x5c: {  	_ =	shalt  }
0x5d: {  	_ =	shalt  }
0x5e: {  	_ =	shalt  }
0x5f: {  	_ =	shalt  }
0x60: {  	_ =	shalt  }
0x61: {  	_ =	shalt  }
0x62: {  	_ =	shalt  }
0x63: {  	_ =	shalt  }
0x64: {  	_ =	shalt  }
0x65: {  	_ =	shalt  }
0x66: {  	_ =	shalt  }
0x67: {  	_ =	shalt  }
0x68: {  	_ =	shalt  }
0x69: {  	_ =	shalt  }
0x6a: {  	_ =	shalt  }
0x6b: {  	_ =	shalt  }
0x6c: {  	_ =	shalt  }
0x6d: {  	_ =	shalt  }
0x6e: {  	_ =	shalt  }
0x6f: {  	_ =	shalt  }
0x70: {  	_ =	shalt  }
0x71: {  	_ =	shalt  }
0x72: {  	_ =	shalt  }
0x73: {  	_ =	shalt  }
0x74: {  	_ =	shalt  }
0x75: {  	_ =	shalt  }
0x76: {  	_ =	shalt  }
0x77: {  	_ =	shalt  }
0x78: {  	_ =	shalt  }
0x79: {  	_ =	shalt  }
0x7a: {  	_ =	shalt  }
0x7b: {  	_ =	shalt  }
0x7c: {  	_ =	shalt  }
0x7d: {  	_ =	shalt  }
0x7e: {  	_ =	shalt  }
0x7f: {  	_ =	shalt  }
0x80: {  	_ =	shalt  }
0x81: {  	_ =	shalt  }
0x82: {  	_ =	shalt  }
0x83: {  	_ =	shalt  }
0x84: {  	_ =	shalt  }
0x85: {  	_ =	shalt  }
0x86: {  	_ =	shalt  }
0x87: {  	_ =	shalt  }
.Lfunc_end0:
.L_simem_size_0:
called_computation_lowered:
.L_overlay_start_0:
0x88: {  	s2 =	sld [smem:$0x3FD9]  }
0x89: {  	s3 =	sld [smem:$0x3FFE];
	_ =	sdelay $0x1  }
0x8a: {  	s1 =	srdreg.scid  }
0x8b: {  	s0 =	sand.u32 $0x1, s1  }
0x8c: {  	s17 =	sshll.u32 s0, $0xA;
	s2 =	sadd.s32 s3, s2  }
0x8d: {  	s2 =	sadd.s32 s2, s17  }
0x8e: {  	[smem:$0x3FC5] =	sst s2  }
0x8f: {  	_ = 	snop  }
0x90: {  	s2 =	sld [smem:$0x3FD0];
	(tm) =	ssettm $0x1  }
0x91: {  	s18 =	sld [smem:$0x3FFB];
	_ =	sdelay $0x3  }
0x92: {  	_ =	strace s18  }
0x93: {  	s3 =	sld [smem:$0x3FFC];
	_ =	sdelay $0x3  }
0x94: {  	_ =	strace s3  }
0x95: {  	s3 =	sld [smem:$0x3FFD];
	_ =	sdelay $0x3  }
0x96: {  	_ =	strace s3  }
0x97: {  	_ =	strace $0x8FFFFFFF  }
0x98: {  	s19 =	sld [smem:$0x3FDB];
	_ =	sdelay $0x1  }
0x99: {  	s4 =	simm.s32 $_scs_section_size  }
0x9a: {  	s5 =	simm.s32 $_size__tile_overlayer_lowered;
	s6 =	simm.s32 $_tile_overlayer_lowered  }
0x9b: {  	s22 =	simm.s32 $0x1BFF;
	s21 =	sshll.u32 s6, $0x1;
	s3 =	sadd.s32 s4, s19  }
0x9c: {  	s7 =	simm.s32 $0x0;
	s20 =	sshll.u32 s5, $0x1;
	s5 =	sadd.s32 s21, s3  }
0x9d: {  	[timem:s7], [sflag:s22] =	dma.local [hbm:s5], s20  }
0x9e: {  	_ =	swait.ge [sflag:s22], s20  }
0x9f: {  	s4 =	ssub.s32 $0x0, s20;
	[sflag:s22] =	ssyncset.done $0x0  }
0xa0: {  	[sflag:s22] =	ssyncadd.s32 s4;
	_ =	sdelay $0x1  }
0xa1: {  	s23 =	simm.s32 $0x1B8B  }
0xa2: {  	_ =	swait.ge [sflag:s23], $0x1  }
0xa3: {  	[sflag:s23] =	ssyncset.done $0x0  }
0xa4: {  	s25 =	simm.s32 $0x1B8E;
	s24 =	sld [smem:$0x3FFE];
	[sflag:s23] =	ssyncadd.s32 $0xFFFFFFFF  }
0xa5: {  	s26 =	simm.s32 $execute0_lowered;
	[smem:$0x3FD2] =	sst s25  }
0xa6: {  	s5 =	sshll.u32 s26, $0x1;
	_ =	strace $0x80000046;
	[dreg:$0x1] =	wrdreg $0xFFFFFFFF  }
0xa7: {  	s28 =	simm.s32 $_size_execute0_lowered;
	s3 =	sadd.s32 s3, s5;
	[dreg:$0x0] =	wrdreg $0x0  }
0xa8: {  	s5 =	sshll.u32 s28, $0x1;
	[dreg:$0x2] =	wrdreg s3  }
0xa9: {  	[dreg:$0x3] =	wrdreg s5  }
0xaa: {  	[dreg:$0x4] =	wrdreg $0xC0  }
0xab: {  	_ =	task [dreg:s7], $0x5FFFF  }
0xac: {  	[dreg:$0x1] =	wrdreg $0xFFFFFFFF  }
0xad: {  	[dreg:$0x0] =	wrdreg $0x60  }
0xae: {  	[dreg:$0x2] =	wrdreg s24  }
0xaf: {  	[dreg:$0x3] =	wrdreg s2  }
0xb0: {  	[dreg:$0x4] =	wrdreg $0x9  }
0xb1: {  	_ =	task.clear_ibuf [dreg:s7], $0x5FFFF;
	_ =	strace $0x90000046  }
0xb2: {  	s29 =	simm.s32 $0x9;
	_ =	strace $0x80000048  }
0xb3: {  	_ =	swait.ge [sflag:s29], $0x1  }
0xb4: {  	[sflag:s29] =	ssyncadd.s32 $0xFFFFFFFF  }
0xb5: {  	_ =	strace $0x90000048  }
0xb6: {  	_ =	sfence  }
0xb7: {  	s30 =	sld [smem:$0x0];
	_ =	sdelay $0x2  }
0xb8: {  	s31 =	sshll.u32 s1, $0xD;
	s1 =	sshrl.u32 s1, $0x2  }
0xb9: {  	s3 =	sand.u32 $0x4000, s31;
	s1 =	sadd.s32 s1, s30  }
0xba: {  	s0 =	sor.u32 s3, s0;
	s1 =	sshll.u32 s1, $0x11  }
0xbb: {  	s0 =	sor.u32 s1, s0  }
0xbc: {  	s0 =	sadd.s32 $0x8F2B, s0  }
0xbd: {  	[sflag:s0] =	ssyncadd.remote.s32 $0x1  }
0xbe: {  	_ =	sfence.sel $0xFFFF  }
0xbf: {  	[dreg:$0x0] =	wrdreg $0xFFFFFFFF;
	(pc) =	sbr.abs _section_cstart, $3  }
0xc0: {  	[dreg:$0x1] =	wrdreg $0xFFFFFFFF  }
0xc1: {  	_ =	task.clear_ibuf [dreg:s7], $0x2FFFF;
	_ =	strace $0x9FFFFFFF  }
0xc2: {  	(tm) =	ssettm $0x7FFFFFFF  }
0xc3: {  	_ =	shalt  }
tec
execute0_lowered:
.L_overlay_start_1:
0x0: {  	(tag) =	ssettag $0x1  }
0x1: {  	s4 =	rddreg [dreg:$0x0]  }
0x2: {  	s5 =	rddreg [dreg:$0x1]  }
0x3: {  	s0 =	rddreg [dreg:$0x2];
	s3 =	srdreg.scid  }
0x4: {  	s1 =	stileid.u32;
	s2 =	simm.s32 $0x0;
	s13 =	simm.s32 $0x5900  }
0x5: {  	s14 =	simm.s32 $0x1;
	s15 =	simm.s32 $0x2;
	s16 =	simm.s32 $0x1880  }
0x6: {  	s17 =	simm.s32 $0x0;
	s6 =	sand.u32 $0x1, s3;
	s26 =	smul.u32 $0x190000, s1  }
0x7: {  	s25 =	sshll.u32 s1, $0x1;
	[smem:$0x7FF] =	sst s2;
	s12 =	smul.u32 $0x32000, s1  }
0x8: {  	s3 =	sadd.s32 $0xA00, s4;
	s11 =	sadd.s32 $0x7B0A00, s4;
	s29 =	smul.u32 $0xC8000, s6  }
0x9: {  	s7 =	sor.u32 s6, s25;
	s8 =	ssub.s32 $0x2, s6;
	s30 =	smul.u32 $0x19000, s6  }
0xa: {  	_ =	strace $0x80000047;
	s9 =	smul.u32 $0x1900, s7;
	s10 =	sshrl.u32 s8, $0x1  }
0xb: {  	s7 =	smul.u32 $0xC8000, s7;
	s12 =	sadd.s32 s12, s11;
	s8 =	ssub.s32 s8, s10  }
0xc: {  	s31 =	sadd.s32 s30, s12;
	s10 =	simm.s32 $0x3;
	s12 =	simm.s32 $0x1900  }
0xd: {  	s28 =	sshrl.u32 s9, $0x3;
	s7 =	sshrl.u32 s7, $0x3;
	s9 =	sadd.s32 s29, s26  }
0xe: {  	s4 =	sadd.s32 s5, s28;
	s7 =	sadd.s32 s11, s7;
	s9 =	sshrl.u32 s9, $0x3  }
0xf: {  	s5 =	sadd.s32 $0x18000, s7;
	s6 =	sadd.s32 $0x18800, s7;
	s7 =	smax.u32 s8, $0x1  }
0x10: {  	s8 =	sadd.s32 s9, s11;
	s9 =	sadd.s32 $0x800, s31;
	s11 =	simm.s32 $0x80  }
.LBB2_1:
0x11: {  	[tilespmem:s2], [sflag:$0x3] =	stream.linear.gather [hbm4b:s4+s2], $0x1900, $0x38;
	[tilespmem:$0x9900] =	vst v63  }
0x12: {  	_ =	swait.ge [sflag:s10], $0x1900  }
0x13: {  	[sflag:s10] =	ssyncset.done $0x0  }
0x14: {  	[sflag:s10] =	ssyncadd.s32 $0xFFFFE700  }
0x15: {  	[tilespmem:s12], [sflag:$0x1] =	stream.indirect.gather [hbm4b:s3+s11], $0x80, s2, s11, $0xb8;
	[tilespmem:$0x9900] =	vst v63  }
0x16: {  	s18 =	simm.s32 $0x80  }
0x17: {  	[tilespmem:s13], [sflag:$0x2] =	stream.indirect.gather [hbm4b:s3+s11], $0x80, s18, s11, $0xb8;
	[tilespmem:$0x9900] =	vst v63  }
0x18: {  	_ =	swait.ge [sflag:s14], $0x4000  }
0x19: {  	[sflag:s14] =	ssyncset.done $0x0  }
0x1a: {  	s29 =	sadd.s32 $0x0, s8;
	[sflag:s14] =	ssyncadd.s32 $0xFFFFC000  }
0x1b: {  	[hbm4b:s29+s2] =	stream.linear.scatter [tilespmem:s12], [sflag:$0x3], $0x4000, $0x38;
	[tilespmem:$0x9900] =	vst v63  }
0x1c: {  	_ =	swait.ge [sflag:s10], $0x4000  }
0x1d: {  	[sflag:s10] =	ssyncset.done $0x0  }
0x1e: {  	s30 =	simm.s32 $0x100;
	[sflag:s10] =	ssyncadd.s32 $0xFFFFC000  }
0x1f: {  	[tilespmem:s12], [sflag:$0x1] =	stream.indirect.gather [hbm4b:s3+s11], $0x80, s30, s11, $0xb8;
	[tilespmem:$0x9900] =	vst v63  }
0x20: {  	_ =	swait.ge [sflag:s15], $0x4000  }
0x21: {  	[sflag:s15] =	ssyncset.done $0x0  }
0x22: {  	s31 =	sadd.s32 $0x0, s9;
	[sflag:s15] =	ssyncadd.s32 $0xFFFFC000  }
0x23: {  	[hbm4b:s31+s2] =	stream.linear.scatter [tilespmem:s13], [sflag:$0x3], $0x4000, $0x38;
	[tilespmem:$0x9900] =	vst v63  }
0x24: {  	s20 =	simm.s32 $0x2000;
	_ =	swait.ge [sflag:s10], $0x4000  }
0x25: {  	s19 =	simm.s32 $0x200;
	s18 =	simm.s32 $0x1000;
	[sflag:s10] =	ssyncset.done $0x0  }
.LBB2_2:
0x26: {  	p0 =	sne.s32 s20, $0x17000;
	s21 =	sadd.s32 $0xFFFFFF80, s19;
	[sflag:s10] =	ssyncadd.s32 $0xFFFFC000  }
0x27: {  	[tilespmem:s13], [sflag:$0x2] =	stream.indirect.gather [hbm4b:s3+s11], $0x80, s21, s11, $0xb8;
	[tilespmem:$0x9900] =	vst v63  }
0x28: {  	s21 =	smov.u32 s20;
	s20 =	sadd.s32 $0x1000, s20;
	_ =	swait.ge [sflag:s14], $0x4000  }
0x29: {  	[sflag:s14] =	ssyncset.done $0x0  }
0x2a: {  	s22 =	sadd.s32 s18, s8;
	[sflag:s14] =	ssyncadd.s32 $0xFFFFC000  }
0x2b: {  	[hbm4b:s22+s2] =	stream.linear.scatter [tilespmem:s12], [sflag:$0x3], $0x4000, $0x38;
	[tilespmem:$0x9900] =	vst v63  }
0x2c: {  	_ =	swait.ge [sflag:s10], $0x4000  }
0x2d: {  	[sflag:s10] =	ssyncset.done $0x0  }
0x2e: {  	[sflag:s10] =	ssyncadd.s32 $0xFFFFC000  }
0x2f: {  	[tilespmem:s12], [sflag:$0x1] =	stream.indirect.gather [hbm4b:s3+s11], $0x80, s19, s11, $0xb8;
	[tilespmem:$0x9900] =	vst v63  }
0x30: {  	_ =	swait.ge [sflag:s15], $0x4000  }
.Ltmp0:
0x31: {  	[sflag:s15] =	ssyncset.done $0x0;
	(pc) =	sbr.rel @p0 .LBB2_2-.Ltmp0, $4  }
0x32: {  	s22 =	sadd.s32 s18, s9;
	s18 =	smov.u32 s21;
	[sflag:s15] =	ssyncadd.s32 $0xFFFFC000  }
0x33: {  	[hbm4b:s22+s2] =	stream.linear.scatter [tilespmem:s13], [sflag:$0x3], $0x4000, $0x38;
	[tilespmem:$0x9900] =	vst v63  }
0x34: {  	_ =	swait.ge [sflag:s10], $0x4000  }
0x35: {  	s19 =	sadd.s32 $0x100, s19;
	[sflag:s10] =	ssyncset.done $0x0  }
0x36: {  	s20 =	sadd.s32 $0xFFFFFF80, s19;
	[sflag:s10] =	ssyncadd.s32 $0xFFFFC000  }
0x37: {  	[tilespmem:s13], [sflag:$0x2] =	stream.indirect.gather [hbm4b:s3+s11], $0x80, s20, s11, $0xb8;
	[tilespmem:$0x9900] =	vst v63  }
0x38: {  	_ =	swait.ge [sflag:s14], $0x4000  }
0x39: {  	[sflag:s14] =	ssyncset.done $0x0  }
0x3a: {  	s30 =	sadd.s32 s18, s8;
	[sflag:s14] =	ssyncadd.s32 $0xFFFFC000  }
0x3b: {  	[hbm4b:s30+s2] =	stream.linear.scatter [tilespmem:s12], [sflag:$0x3], $0x4000, $0x38;
	[tilespmem:$0x9900] =	vst v63  }
0x3c: {  	_ =	swait.ge [sflag:s10], $0x4000  }
0x3d: {  	[sflag:s10] =	ssyncset.done $0x0  }
0x3e: {  	[sflag:s10] =	ssyncadd.s32 $0xFFFFC000  }
0x3f: {  	[tilespmem:s12], [sflag:$0x1] =	stream.indirect.gather [hbm4b:s3+s11], $0x80, s19, s11, $0xb8;
	[tilespmem:$0x9900] =	vst v63  }
0x40: {  	_ =	swait.ge [sflag:s15], $0x4000  }
0x41: {  	[sflag:s15] =	ssyncset.done $0x0  }
0x42: {  	s31 =	sadd.s32 s18, s9;
	[sflag:s15] =	ssyncadd.s32 $0xFFFFC000  }
0x43: {  	[hbm4b:s31+s2] =	stream.linear.scatter [tilespmem:s13], [sflag:$0x3], $0x4000, $0x38;
	[tilespmem:$0x9900] =	vst v63  }
0x44: {  	_ =	swait.ge [sflag:s10], $0x4000  }
0x45: {  	[sflag:s10] =	ssyncset.done $0x0  }
0x46: {  	[sflag:s10] =	ssyncadd.s32 $0xFFFFC000  }
0x47: {  	[tilespmem:s13], [sflag:$0x2] =	stream.indirect.gather [hbm4b:s3+s11], $0x80, s16, s11, $0xb8;
	[tilespmem:$0x9900] =	vst v63  }
0x48: {  	_ =	swait.ge [sflag:s14], $0x4000  }
0x49: {  	[sflag:s14] =	ssyncset.done $0x0  }
0x4a: {  	[sflag:s14] =	ssyncadd.s32 $0xFFFFC000  }
0x4b: {  	[hbm4b:s5+s2] =	stream.linear.scatter [tilespmem:s12], [sflag:$0x3], $0x4000, $0x38;
	[tilespmem:$0x9900] =	vst v63  }
0x4c: {  	_ =	swait.ge [sflag:s10], $0x4000  }
0x4d: {  	[sflag:s10] =	ssyncset.done $0x0  }
0x4e: {  	[sflag:s10] =	ssyncadd.s32 $0xFFFFC000  }
0x4f: {  	s17 =	sadd.s32 $0x1, s17;
	_ =	swait.ge [sflag:s15], $0x4000  }
0x50: {  	p0 =	sne.s32 s17, s7;
	[sflag:s15] =	ssyncset.done $0x0  }
.Ltmp1:
0x51: {  	[sflag:s15] =	ssyncadd.s32 $0xFFFFC000;
	(pc) =	sbr.rel @p0 .LBB2_1-.Ltmp1, $4  }
0x52: {  	[hbm4b:s6+s2] =	stream.linear.scatter [tilespmem:s13], [sflag:$0x3], $0x4000, $0x38;
	[tilespmem:$0x9900] =	vst v63  }
0x53: {  	_ =	swait.ge [sflag:s10], $0x4000  }
0x54: {  	[sflag:s10] =	ssyncset.done $0x0  }
0x55: {  	[sflag:s10] =	ssyncadd.s32 $0xFFFFC000  }
0x56: {  	_ =	sfence.sel $0x180000  }
0x57: {  	[bflag:$0x0] =	sbarrier.arrive $0xFFFF  }
0x58: {  	p0 =	sne.s32 s1, $0x0;
	_ =	strace $0x90000047  }
0x59: {  	s0 =	sadd.s32 @!p0 $0x100000, s0;
	[bflag:$0x2] =	sbarrier.arrive $0xFFFF  }
0x5a: {  	[sflag:s0] =	ssyncadd.tile.s32 @!p0 $0x1;
	_ =	shalt  }
.Lfunc_end2:
_tile_overlayer_lowered:
.L_overlay_start_2:
0x5b: {  	(tag) =	ssettag $0x2  }
0x5c: {  	s0 =	rddreg [dreg:$0x0];
	s2 =	stileid.u32  }
0x5d: {  	s1 =	rddreg [dreg:$0x1];
	p0 =	sne.s32 s2, $0x0  }
0x5e: {  	s3 =	rddreg [dreg:$0x2];
	[bflag:$0x3] =	sbarrier.arrive $0xFFFF;
	s2 =	simm.s32 @!p0 $0x1C03  }
0x5f: {  	[timem:s3], [sflag:s2] =	dma.local @!p0 [hbm:s0], s1  }
0x60: {  	s0 =	simm.s32 @!p0 $0x3  }
0x61: {  	_ =	swait.ge @!p0 [sflag:s0], s1  }
0x62: {  	s1 =	ssub.s32 @!p0 $0x0, s1;
	[sflag:s0] =	ssyncset.done @!p0 $0x0  }
0x63: {  	[sflag:s0] =	ssyncadd.s32 @!p0 s1  }
0x64: {  	[bflag:$0x3] =	sbarrier.arrive $0xFFFF  }
0x65: {  	_ =	shalt  }

</sc_bundles>
